<compile_context>
chip_gen: v7x
topology: tpu7x:2x2x1
jax: 0.10.2.dev20260603
libtpu: 0.0.44.dev20260713+nightly
codegen_flags: <defaults>
</compile_context>

<pallas_src>
import functools

import jax
import jax.numpy as jnp
from jax import lax
from jax.experimental import pallas as pl
from jax.experimental.pallas import tpu as pltpu
from jax.experimental.pallas import tpu_sc as plsc

NUM_ENTITIES = 1000000
NUM_RELATIONS = 1000
EMBED_DIM = 64
BATCH = 16384

NUM_CORES = 2
NUM_SUBCORES = 16
NUM_WORKERS = NUM_CORES * NUM_SUBCORES
B_PER_W = BATCH // NUM_WORKERS

_W = 32768
_Q = _W // 4


def _tr_body(x_ref, o_ref):
    x = x_ref[...].astype(jnp.bfloat16)
    y = jnp.transpose(x)
    u = jax.lax.bitcast_convert_type(y, jnp.uint16).astype(jnp.int32)
    a, b, c, d = (u[0:_Q], u[_Q:2 * _Q], u[2 * _Q:3 * _Q], u[3 * _Q:4 * _Q])
    p1 = a | (c << 16)
    p2 = b | (d << 16)
    o_ref[...] = jnp.concatenate([p1, p2], axis=1)


def _transpose_pack(et, n):
    nblk = (n + _W - 1) // _W
    return pl.pallas_call(
        _tr_body,
        grid=(nblk,),
        in_specs=[pl.BlockSpec((64, _W), lambda i: (0, i))],
        out_specs=pl.BlockSpec((_Q, 128), lambda i: (i, 0)),
        out_shape=jax.ShapeDtypeStruct((nblk * _Q, 128), jnp.int32),
    )(et)


def _sc_gather(we, wr, hj, rj, tj):
    mesh = plsc.VectorSubcoreMesh(
        core_axis_name="c", subcore_axis_name="s",
        num_cores=NUM_CORES, num_subcores=NUM_SUBCORES)
    out_ty = jax.ShapeDtypeStruct((BATCH, 128), jnp.int32)

    @functools.partial(
        pl.kernel,
        out_type=(out_ty, out_ty, out_ty),
        mesh=mesh,
        scratch_types=[
            pltpu.VMEM((B_PER_W,), jnp.int32),
            pltpu.VMEM((B_PER_W, 128), jnp.int32),
            pltpu.SemaphoreType.DMA,
        ],
        compiler_params=pltpu.CompilerParams(use_tc_tiling_on_sc=True),
    )
    def sck(we_hbm, wr_hbm, hj_hbm, rj_hbm, tj_hbm,
            hw_hbm, rw_hbm, tw_hbm, idx_v, rows_v, sem):
        wid = lax.axis_index("s") * NUM_CORES + lax.axis_index("c")
        base = wid * B_PER_W
        for tab, idx_hbm, out_hbm in (
                (we_hbm, hj_hbm, hw_hbm),
                (wr_hbm, rj_hbm, rw_hbm),
                (we_hbm, tj_hbm, tw_hbm)):
            pltpu.sync_copy(idx_hbm.at[pl.ds(base, B_PER_W)], idx_v)
            pltpu.async_copy(tab.at[idx_v], rows_v, sem).wait()
            pltpu.sync_copy(rows_v, out_hbm.at[pl.ds(base, B_PER_W)])

    return sck(we, wr, hj, rj, tj)


_CB = 2048


def _score_body(hw_ref, rw_ref, tw_ref, bits_ref, o_ref):
    bits = bits_ref[...][:, :EMBED_DIM]

    def unpack(x_ref, k):
        x = x_ref[...]
        lane_hi = ((bits >> k) & 1) == 1
        v = jnp.where(lane_hi, x[:, EMBED_DIM:], x[:, :EMBED_DIM])
        word_hi = ((bits >> (k + 1)) & 1) == 1
        patt = jnp.where(word_hi, v & jnp.int32(-65536), v << 16)
        return jax.lax.bitcast_convert_type(patt, jnp.float32)

    hv = unpack(hw_ref, 0)
    rv = unpack(rw_ref, 2)
    tv = unpack(tw_ref, 4)
    score = jnp.sum(hv * rv * tv, axis=1)
    o_ref[...] = jax.nn.sigmoid(score)


def _tc_score(hw, rw, tw, bits):
    g = BATCH // _CB
    spec = pl.BlockSpec((_CB, 128), lambda i: (i, 0))
    bits_b = jnp.broadcast_to(bits[:, None], (BATCH, 128))
    out = pl.pallas_call(
        _score_body,
        grid=(g,),
        in_specs=[spec, spec, spec, spec],
        out_specs=pl.BlockSpec((_CB,), lambda i: (i,)),
        out_shape=jax.ShapeDtypeStruct((BATCH,), jnp.float32),
    )(hw, rw, tw, bits_b)
    return out


_LW = _W.bit_length() - 1


def _rowid(g):
    return ((g >> _LW) << (_LW - 2)) | (g & (_Q - 1))


def _selbits(g):
    return ((g >> (_LW - 2)) & 1) | (((g >> (_LW - 1)) & 1) << 1)


def kernel(h, r, t, entity_table, relation_table):
    we = _transpose_pack(entity_table.T, NUM_ENTITIES)
    wr = _transpose_pack(relation_table.T, NUM_RELATIONS)
    hw, rw, tw = _sc_gather(we, wr, _rowid(h), _rowid(r), _rowid(t))
    bits = _selbits(h) | (_selbits(r) << 2) | (_selbits(t) << 4)
    return _tc_score(hw, rw, tw, bits)

# --- scband reference (transcript-rebuilt; emitter-appended) ---
"""Pipeline reference for scband-dist-mult-model-88983132439089 (READ-ONLY COPY).

The authoritative reference and input builder live on the scoring server;
editing this copy changes nothing except your own understanding.
"""

import jax, jax.numpy as jnp
import numpy as np

NUM_ENTITIES = 1000000
NUM_RELATIONS = 1000
EMBED_DIM = 64
BATCH = 16384

def setup_inputs(seed: int = 0) -> dict:
    key = jax.random.key(seed)
    k1, k2, k3, k4, k5 = jax.random.split(key, 5)
    h = jax.random.randint(k1, (BATCH,), 0, NUM_ENTITIES, dtype=jnp.int64 if jax.config.jax_enable_x64 else jnp.int32).astype(jnp.int32)
    r = jax.random.randint(k2, (BATCH,), 0, NUM_RELATIONS).astype(jnp.int32)
    t = jax.random.randint(k3, (BATCH,), 0, NUM_ENTITIES).astype(jnp.int32)
    entity_table = jax.random.normal(k4, (NUM_ENTITIES, EMBED_DIM), dtype=jnp.float32)
    relation_table = jax.random.normal(k5, (NUM_RELATIONS, EMBED_DIM), dtype=jnp.float32)
    return {"h": h, "r": r, "t": t, "entity_table": entity_table, "relation_table": relation_table}

def reference(h, r, t, entity_table, relation_table):
    # DistMult: sigmoid(sum(h_emb * r_emb * t_emb, dim=1))
    h_emb = jnp.take(entity_table, h, axis=0)
    r_emb = jnp.take(relation_table, r, axis=0)
    t_emb = jnp.take(entity_table, t, axis=0)
    score = jnp.sum(h_emb * r_emb * t_emb, axis=1)
    return jax.nn.sigmoid(score)

if __name__ == "__main__":
    import jax
    _d = setup_inputs()
    print(jax.jit(kernel)(*tuple(_d.values())))

</pallas_src>

<mosaic_0001>
#map = affine_map<(d0, d1) -> (0, 0)>
#map1 = affine_map<(d0, d1) -> (0)>
module attributes {stable_mosaic.version = 14 : i64} {
  func.func @sck(%arg0: i32, %arg1: i32, %arg2: memref<253952x128xi32, #tpu.memory_space<hbm>>, %arg3: memref<8192x128xi32, #tpu.memory_space<hbm>>, %arg4: memref<16384xi32, #tpu.memory_space<hbm>>, %arg5: memref<16384xi32, #tpu.memory_space<hbm>>, %arg6: memref<16384xi32, #tpu.memory_space<hbm>>, %arg7: memref<16384x128xi32, #tpu.memory_space<hbm>>, %arg8: memref<16384x128xi32, #tpu.memory_space<hbm>>, %arg9: memref<16384x128xi32, #tpu.memory_space<hbm>>, %arg10: memref<512xi32, #tpu.memory_space<vmem>>, %arg11: memref<512x128xi32, #tpu.memory_space<vmem>>, %arg12: memref<!tpu.dma_semaphore, #tpu.memory_space<semaphore_mem>>) attributes {dimension_semantics = [#tpu.dimension_semantics<core_parallel>, #tpu.dimension_semantics<subcore_parallel>], iteration_bounds = array<i64: 2, 16>, scalar_prefetch = 0 : i64, scratch_operands = 3 : i64, tpu.core_type = #tpu.core_type<sc_vector_subcore>, window_params = [{transform_indices = #map}, {transform_indices = #map}, {transform_indices = #map1}, {transform_indices = #map1}, {transform_indices = #map1}, {transform_indices = #map}, {transform_indices = #map}, {transform_indices = #map}]} {
    %mul3A = arith.constant 2 : i32
    %mul3A_0 = arith.muli %arg1, %mul3A : i32
    %add3A = arith.addi %mul3A_0, %arg0 : i32
    %mul3A_1 = arith.constant 512 : i32
    %mul3A_2 = arith.muli %add3A, %mul3A_1 : i32
    "tpu.region"() ({
      %run_scoped3A = tpu.sem_alloc : memref<!tpu.dma_semaphore, #tpu.memory_space<semaphore_mem>>
      %dma_start3A_19 = tpu.memref_slice %arg4[%mul3A_2] : memref<16384xi32, #tpu.memory_space<hbm>> -> memref<512xi32, #tpu.memory_space<hbm>>
      %dma_start3A_20 = tpu.memref_slice %arg4[%mul3A_2] : memref<16384xi32, #tpu.memory_space<hbm>> -> memref<512xi32, #tpu.memory_space<hbm>>
      tpu.enqueue_dma source(%dma_start3A_20 : memref<512xi32, #tpu.memory_space<hbm>>) target(%arg10 : memref<512xi32, #tpu.memory_space<vmem>>) target_semaphore(%run_scoped3A : memref<!tpu.dma_semaphore, #tpu.memory_space<semaphore_mem>>)
      %dma_wait3A_21 = tpu.memref_slice %arg4[%mul3A_2] : memref<16384xi32, #tpu.memory_space<hbm>> -> memref<512xi32, #tpu.memory_space<hbm>>
      %dma_wait3A_22 = tpu.memref_slice %arg4[%mul3A_2] : memref<16384xi32, #tpu.memory_space<hbm>> -> memref<512xi32, #tpu.memory_space<hbm>>
      tpu.wait_dma2 semaphore(%run_scoped3A : memref<!tpu.dma_semaphore, #tpu.memory_space<semaphore_mem>>) src(%dma_wait3A_22 : memref<512xi32, #tpu.memory_space<hbm>>) dst(%arg10 : memref<512xi32, #tpu.memory_space<vmem>>)
      tpu.yield
    }) : () -> ()
    %dma_start3A = arith.constant 0 : i32
    %dma_start3A_3 = arith.constant 0 : i32
    %dma_start3A_4 = tpu.memref_slice %arg2[%dma_start3A, %dma_start3A_3] : memref<253952x128xi32, #tpu.memory_space<hbm>> -> memref<253952x128xi32, #tpu.memory_space<hbm>>
    tpu.enqueue_indirect_dma source(%dma_start3A_4 : memref<253952x128xi32, #tpu.memory_space<hbm>>) target(%arg11 : memref<512x128xi32, #tpu.memory_space<vmem>>) offsets(%arg10 : memref<512xi32, #tpu.memory_space<vmem>>) semaphore(%arg12 : memref<!tpu.dma_semaphore, #tpu.memory_space<semaphore_mem>>)
    %dma_wait3A = arith.constant 0 : i32
    %dma_wait3A_5 = arith.constant 0 : i32
    %dma_wait3A_6 = tpu.memref_slice %arg2[%dma_wait3A, %dma_wait3A_5] : memref<253952x128xi32, #tpu.memory_space<hbm>> -> memref<253952x128xi32, #tpu.memory_space<hbm>>
    tpu.wait_indirect_dma semaphore(%arg12 : memref<!tpu.dma_semaphore, #tpu.memory_space<semaphore_mem>>) src(%dma_wait3A_6 : memref<253952x128xi32, #tpu.memory_space<hbm>>) dst(%arg11 : memref<512x128xi32, #tpu.memory_space<vmem>>)
    "tpu.region"() ({
      %run_scoped3A = tpu.sem_alloc : memref<!tpu.dma_semaphore, #tpu.memory_space<semaphore_mem>>
      %dma_start3A_19 = arith.constant 0 : i32
      %dma_start3A_20 = tpu.memref_slice %arg7[%mul3A_2, %dma_start3A_19] : memref<16384x128xi32, #tpu.memory_space<hbm>> -> memref<512x128xi32, #tpu.memory_space<hbm>>
      %dma_start3A_21 = arith.constant 0 : i32
      %dma_start3A_22 = tpu.memref_slice %arg7[%mul3A_2, %dma_start3A_21] : memref<16384x128xi32, #tpu.memory_space<hbm>> -> memref<512x128xi32, #tpu.memory_space<hbm>>
      tpu.enqueue_dma source(%arg11 : memref<512x128xi32, #tpu.memory_space<vmem>>) target(%dma_start3A_22 : memref<512x128xi32, #tpu.memory_space<hbm>>) target_semaphore(%run_scoped3A : memref<!tpu.dma_semaphore, #tpu.memory_space<semaphore_mem>>)
      %dma_wait3A_23 = arith.constant 0 : i32
      %dma_wait3A_24 = tpu.memref_slice %arg7[%mul3A_2, %dma_wait3A_23] : memref<16384x128xi32, #tpu.memory_space<hbm>> -> memref<512x128xi32, #tpu.memory_space<hbm>>
      %dma_wait3A_25 = arith.constant 0 : i32
      %dma_wait3A_26 = tpu.memref_slice %arg7[%mul3A_2, %dma_wait3A_25] : memref<16384x128xi32, #tpu.memory_space<hbm>> -> memref<512x128xi32, #tpu.memory_space<hbm>>
      tpu.wait_dma2 semaphore(%run_scoped3A : memref<!tpu.dma_semaphore, #tpu.memory_space<semaphore_mem>>) src(%arg11 : memref<512x128xi32, #tpu.memory_space<vmem>>) dst(%dma_wait3A_26 : memref<512x128xi32, #tpu.memory_space<hbm>>)
      tpu.yield
    }) : () -> ()
    "tpu.region"() ({
      %run_scoped3A = tpu.sem_alloc : memref<!tpu.dma_semaphore, #tpu.memory_space<semaphore_mem>>
      %dma_start3A_19 = tpu.memref_slice %arg5[%mul3A_2] : memref<16384xi32, #tpu.memory_space<hbm>> -> memref<512xi32, #tpu.memory_space<hbm>>
      %dma_start3A_20 = tpu.memref_slice %arg5[%mul3A_2] : memref<16384xi32, #tpu.memory_space<hbm>> -> memref<512xi32, #tpu.memory_space<hbm>>
      tpu.enqueue_dma source(%dma_start3A_20 : memref<512xi32, #tpu.memory_space<hbm>>) target(%arg10 : memref<512xi32, #tpu.memory_space<vmem>>) target_semaphore(%run_scoped3A : memref<!tpu.dma_semaphore, #tpu.memory_space<semaphore_mem>>)
      %dma_wait3A_21 = tpu.memref_slice %arg5[%mul3A_2] : memref<16384xi32, #tpu.memory_space<hbm>> -> memref<512xi32, #tpu.memory_space<hbm>>
      %dma_wait3A_22 = tpu.memref_slice %arg5[%mul3A_2] : memref<16384xi32, #tpu.memory_space<hbm>> -> memref<512xi32, #tpu.memory_space<hbm>>
      tpu.wait_dma2 semaphore(%run_scoped3A : memref<!tpu.dma_semaphore, #tpu.memory_space<semaphore_mem>>) src(%dma_wait3A_22 : memref<512xi32, #tpu.memory_space<hbm>>) dst(%arg10 : memref<512xi32, #tpu.memory_space<vmem>>)
      tpu.yield
    }) : () -> ()
    %dma_start3A_7 = arith.constant 0 : i32
    %dma_start3A_8 = arith.constant 0 : i32
    %dma_start3A_9 = tpu.memref_slice %arg3[%dma_start3A_7, %dma_start3A_8] : memref<8192x128xi32, #tpu.memory_space<hbm>> -> memref<8192x128xi32, #tpu.memory_space<hbm>>
    tpu.enqueue_indirect_dma source(%dma_start3A_9 : memref<8192x128xi32, #tpu.memory_space<hbm>>) target(%arg11 : memref<512x128xi32, #tpu.memory_space<vmem>>) offsets(%arg10 : memref<512xi32, #tpu.memory_space<vmem>>) semaphore(%arg12 : memref<!tpu.dma_semaphore, #tpu.memory_space<semaphore_mem>>)
    %dma_wait3A_10 = arith.constant 0 : i32
    %dma_wait3A_11 = arith.constant 0 : i32
    %dma_wait3A_12 = tpu.memref_slice %arg3[%dma_wait3A_10, %dma_wait3A_11] : memref<8192x128xi32, #tpu.memory_space<hbm>> -> memref<8192x128xi32, #tpu.memory_space<hbm>>
    tpu.wait_indirect_dma semaphore(%arg12 : memref<!tpu.dma_semaphore, #tpu.memory_space<semaphore_mem>>) src(%dma_wait3A_12 : memref<8192x128xi32, #tpu.memory_space<hbm>>) dst(%arg11 : memref<512x128xi32, #tpu.memory_space<vmem>>)
    "tpu.region"() ({
      %run_scoped3A = tpu.sem_alloc : memref<!tpu.dma_semaphore, #tpu.memory_space<semaphore_mem>>
      %dma_start3A_19 = arith.constant 0 : i32
      %dma_start3A_20 = tpu.memref_slice %arg8[%mul3A_2, %dma_start3A_19] : memref<16384x128xi32, #tpu.memory_space<hbm>> -> memref<512x128xi32, #tpu.memory_space<hbm>>
      %dma_start3A_21 = arith.constant 0 : i32
      %dma_start3A_22 = tpu.memref_slice %arg8[%mul3A_2, %dma_start3A_21] : memref<16384x128xi32, #tpu.memory_space<hbm>> -> memref<512x128xi32, #tpu.memory_space<hbm>>
      tpu.enqueue_dma source(%arg11 : memref<512x128xi32, #tpu.memory_space<vmem>>) target(%dma_start3A_22 : memref<512x128xi32, #tpu.memory_space<hbm>>) target_semaphore(%run_scoped3A : memref<!tpu.dma_semaphore, #tpu.memory_space<semaphore_mem>>)
      %dma_wait3A_23 = arith.constant 0 : i32
      %dma_wait3A_24 = tpu.memref_slice %arg8[%mul3A_2, %dma_wait3A_23] : memref<16384x128xi32, #tpu.memory_space<hbm>> -> memref<512x128xi32, #tpu.memory_space<hbm>>
      %dma_wait3A_25 = arith.constant 0 : i32
      %dma_wait3A_26 = tpu.memref_slice %arg8[%mul3A_2, %dma_wait3A_25] : memref<16384x128xi32, #tpu.memory_space<hbm>> -> memref<512x128xi32, #tpu.memory_space<hbm>>
      tpu.wait_dma2 semaphore(%run_scoped3A : memref<!tpu.dma_semaphore, #tpu.memory_space<semaphore_mem>>) src(%arg11 : memref<512x128xi32, #tpu.memory_space<vmem>>) dst(%dma_wait3A_26 : memref<512x128xi32, #tpu.memory_space<hbm>>)
      tpu.yield
    }) : () -> ()
    "tpu.region"() ({
      %run_scoped3A = tpu.sem_alloc : memref<!tpu.dma_semaphore, #tpu.memory_space<semaphore_mem>>
      %dma_start3A_19 = tpu.memref_slice %arg6[%mul3A_2] : memref<16384xi32, #tpu.memory_space<hbm>> -> memref<512xi32, #tpu.memory_space<hbm>>
      %dma_start3A_20 = tpu.memref_slice %arg6[%mul3A_2] : memref<16384xi32, #tpu.memory_space<hbm>> -> memref<512xi32, #tpu.memory_space<hbm>>
      tpu.enqueue_dma source(%dma_start3A_20 : memref<512xi32, #tpu.memory_space<hbm>>) target(%arg10 : memref<512xi32, #tpu.memory_space<vmem>>) target_semaphore(%run_scoped3A : memref<!tpu.dma_semaphore, #tpu.memory_space<semaphore_mem>>)
      %dma_wait3A_21 = tpu.memref_slice %arg6[%mul3A_2] : memref<16384xi32, #tpu.memory_space<hbm>> -> memref<512xi32, #tpu.memory_space<hbm>>
      %dma_wait3A_22 = tpu.memref_slice %arg6[%mul3A_2] : memref<16384xi32, #tpu.memory_space<hbm>> -> memref<512xi32, #tpu.memory_space<hbm>>
      tpu.wait_dma2 semaphore(%run_scoped3A : memref<!tpu.dma_semaphore, #tpu.memory_space<semaphore_mem>>) src(%dma_wait3A_22 : memref<512xi32, #tpu.memory_space<hbm>>) dst(%arg10 : memref<512xi32, #tpu.memory_space<vmem>>)
      tpu.yield
    }) : () -> ()
    %dma_start3A_13 = arith.constant 0 : i32
    %dma_start3A_14 = arith.constant 0 : i32
    %dma_start3A_15 = tpu.memref_slice %arg2[%dma_start3A_13, %dma_start3A_14] : memref<253952x128xi32, #tpu.memory_space<hbm>> -> memref<253952x128xi32, #tpu.memory_space<hbm>>
    tpu.enqueue_indirect_dma source(%dma_start3A_15 : memref<253952x128xi32, #tpu.memory_space<hbm>>) target(%arg11 : memref<512x128xi32, #tpu.memory_space<vmem>>) offsets(%arg10 : memref<512xi32, #tpu.memory_space<vmem>>) semaphore(%arg12 : memref<!tpu.dma_semaphore, #tpu.memory_space<semaphore_mem>>)
    %dma_wait3A_16 = arith.constant 0 : i32
    %dma_wait3A_17 = arith.constant 0 : i32
    %dma_wait3A_18 = tpu.memref_slice %arg2[%dma_wait3A_16, %dma_wait3A_17] : memref<253952x128xi32, #tpu.memory_space<hbm>> -> memref<253952x128xi32, #tpu.memory_space<hbm>>
    tpu.wait_indirect_dma semaphore(%arg12 : memref<!tpu.dma_semaphore, #tpu.memory_space<semaphore_mem>>) src(%dma_wait3A_18 : memref<253952x128xi32, #tpu.memory_space<hbm>>) dst(%arg11 : memref<512x128xi32, #tpu.memory_space<vmem>>)
    "tpu.region"() ({
      %run_scoped3A = tpu.sem_alloc : memref<!tpu.dma_semaphore, #tpu.memory_space<semaphore_mem>>
      %dma_start3A_19 = arith.constant 0 : i32
      %dma_start3A_20 = tpu.memref_slice %arg9[%mul3A_2, %dma_start3A_19] : memref<16384x128xi32, #tpu.memory_space<hbm>> -> memref<512x128xi32, #tpu.memory_space<hbm>>
      %dma_start3A_21 = arith.constant 0 : i32
      %dma_start3A_22 = tpu.memref_slice %arg9[%mul3A_2, %dma_start3A_21] : memref<16384x128xi32, #tpu.memory_space<hbm>> -> memref<512x128xi32, #tpu.memory_space<hbm>>
      tpu.enqueue_dma source(%arg11 : memref<512x128xi32, #tpu.memory_space<vmem>>) target(%dma_start3A_22 : memref<512x128xi32, #tpu.memory_space<hbm>>) target_semaphore(%run_scoped3A : memref<!tpu.dma_semaphore, #tpu.memory_space<semaphore_mem>>)
      %dma_wait3A_23 = arith.constant 0 : i32
      %dma_wait3A_24 = tpu.memref_slice %arg9[%mul3A_2, %dma_wait3A_23] : memref<16384x128xi32, #tpu.memory_space<hbm>> -> memref<512x128xi32, #tpu.memory_space<hbm>>
      %dma_wait3A_25 = arith.constant 0 : i32
      %dma_wait3A_26 = tpu.memref_slice %arg9[%mul3A_2, %dma_wait3A_25] : memref<16384x128xi32, #tpu.memory_space<hbm>> -> memref<512x128xi32, #tpu.memory_space<hbm>>
      tpu.wait_dma2 semaphore(%run_scoped3A : memref<!tpu.dma_semaphore, #tpu.memory_space<semaphore_mem>>) src(%arg11 : memref<512x128xi32, #tpu.memory_space<vmem>>) dst(%dma_wait3A_26 : memref<512x128xi32, #tpu.memory_space<hbm>>)
      tpu.yield
    }) : () -> ()
    return
  }
}

module attributes {stable_mosaic.version = 14 : i64} {
  func.func @_tr_body(%arg0: i32, %arg1: memref<64x32768xf32, #tpu.memory_space<vmem>>, %arg2: memref<8192x128xi32, #tpu.memory_space<vmem>>) attributes {dimension_semantics = [#tpu.dimension_semantics<arbitrary>], iteration_bounds = array<i64: 1>, scalar_prefetch = 0 : i64, scratch_operands = 0 : i64, tpu.core_type = #tpu.core_type<tc>, window_params = [{transform_indices = @transform_0, window_bounds = array<i64: 64, 32768>}, {transform_indices = @transform_1, window_bounds = array<i64: 8192, 128>}]} {
    %get3A = arith.constant 0 : index
    %get3A_0 = arith.constant 0 : index
    %get3A_1 = vector.load %arg1[%get3A, %get3A_0] : memref<64x32768xf32, #tpu.memory_space<vmem>>, vector<64x32768xf32>
    %convert_element_type3A = arith.truncf %get3A_1 : vector<64x32768xf32> to vector<64x32768xbf16>
    %transpose3A = tpu.transpose %convert_element_type3A, [1, 0] : vector<64x32768xbf16> -> vector<32768x64xbf16>
    %bitcast_convert_type3A = tpu.bitcast %transpose3A : vector<32768x64xbf16> -> vector<32768x64xi16>
    %convert_element_type3A_2 = arith.extui %bitcast_convert_type3A : vector<32768x64xi16> to vector<32768x64xi32>
    %slice3A = vector.extract_strided_slice %convert_element_type3A_2 {offsets = [0, 0], sizes = [8192, 64], strides = [1, 1]} : vector<32768x64xi32> to vector<8192x64xi32>
    %slice3A_3 = vector.extract_strided_slice %convert_element_type3A_2 {offsets = [8192, 0], sizes = [8192, 64], strides = [1, 1]} : vector<32768x64xi32> to vector<8192x64xi32>
    %slice3A_4 = vector.extract_strided_slice %convert_element_type3A_2 {offsets = [16384, 0], sizes = [8192, 64], strides = [1, 1]} : vector<32768x64xi32> to vector<8192x64xi32>
    %slice3A_5 = vector.extract_strided_slice %convert_element_type3A_2 {offsets = [24576, 0], sizes = [8192, 64], strides = [1, 1]} : vector<32768x64xi32> to vector<8192x64xi32>
    %shift_left3A = arith.constant 16 : i32
    %shift_left3A_6 = vector.broadcast %shift_left3A : i32 to vector<8192x64xi32>
    %shift_left3A_7 = arith.shli %slice3A_4, %shift_left3A_6 : vector<8192x64xi32>
    %or3A = arith.ori %slice3A, %shift_left3A_7 : vector<8192x64xi32>
    %shift_left3A_8 = arith.constant 16 : i32
    %shift_left3A_9 = vector.broadcast %shift_left3A_8 : i32 to vector<8192x64xi32>
    %shift_left3A_10 = arith.shli %slice3A_5, %shift_left3A_9 : vector<8192x64xi32>
    %or3A_11 = arith.ori %slice3A_3, %shift_left3A_10 : vector<8192x64xi32>
    %concatenate3A = tpu.concatenate %or3A, %or3A_11 in 1 : vector<8192x64xi32>, vector<8192x64xi32> -> vector<8192x128xi32>
    %swap3A = arith.constant 0 : index
    %swap3A_12 = arith.constant 0 : index
    %swap3A_13 = vector.load %arg2[%swap3A, %swap3A_12] : memref<8192x128xi32, #tpu.memory_space<vmem>>, vector<8192x128xi32>
    tpu.vector_store %arg2[%swap3A, %swap3A_12], %concatenate3A {strides = array<i32>} : memref<8192x128xi32, #tpu.memory_space<vmem>>, vector<8192x128xi32>,
    return
  }
  func.func @transform_0(%arg0: i32) -> (i32, i32) {
    %c0_i32 = arith.constant 0 : i32
    %c0_i32_0 = arith.constant 0 : i32
    return %c0_i32, %arg0 : i32, i32
  }
  func.func @transform_1(%arg0: i32) -> (i32, i32) {
    %c0_i32 = arith.constant 0 : i32
    %c0_i32_0 = arith.constant 0 : i32
    return %arg0, %c0_i32 : i32, i32
  }
}

module attributes {stable_mosaic.version = 14 : i64} {
  func.func @_tr_body(%arg0: i32, %arg1: memref<64x32768xf32, #tpu.memory_space<vmem>>, %arg2: memref<8192x128xi32, #tpu.memory_space<vmem>>) attributes {dimension_semantics = [#tpu.dimension_semantics<arbitrary>], iteration_bounds = array<i64: 31>, scalar_prefetch = 0 : i64, scratch_operands = 0 : i64, tpu.core_type = #tpu.core_type<tc>, window_params = [{transform_indices = @transform_0, window_bounds = array<i64: 64, 32768>}, {transform_indices = @transform_1, window_bounds = array<i64: 8192, 128>}]} {
    %get3A = arith.constant 0 : index
    %get3A_0 = arith.constant 0 : index
    %get3A_1 = vector.load %arg1[%get3A, %get3A_0] : memref<64x32768xf32, #tpu.memory_space<vmem>>, vector<64x32768xf32>
    %convert_element_type3A = arith.truncf %get3A_1 : vector<64x32768xf32> to vector<64x32768xbf16>
    %transpose3A = tpu.transpose %convert_element_type3A, [1, 0] : vector<64x32768xbf16> -> vector<32768x64xbf16>
    %bitcast_convert_type3A = tpu.bitcast %transpose3A : vector<32768x64xbf16> -> vector<32768x64xi16>
    %convert_element_type3A_2 = arith.extui %bitcast_convert_type3A : vector<32768x64xi16> to vector<32768x64xi32>
    %slice3A = vector.extract_strided_slice %convert_element_type3A_2 {offsets = [0, 0], sizes = [8192, 64], strides = [1, 1]} : vector<32768x64xi32> to vector<8192x64xi32>
    %slice3A_3 = vector.extract_strided_slice %convert_element_type3A_2 {offsets = [8192, 0], sizes = [8192, 64], strides = [1, 1]} : vector<32768x64xi32> to vector<8192x64xi32>
    %slice3A_4 = vector.extract_strided_slice %convert_element_type3A_2 {offsets = [16384, 0], sizes = [8192, 64], strides = [1, 1]} : vector<32768x64xi32> to vector<8192x64xi32>
    %slice3A_5 = vector.extract_strided_slice %convert_element_type3A_2 {offsets = [24576, 0], sizes = [8192, 64], strides = [1, 1]} : vector<32768x64xi32> to vector<8192x64xi32>
    %shift_left3A = arith.constant 16 : i32
    %shift_left3A_6 = vector.broadcast %shift_left3A : i32 to vector<8192x64xi32>
    %shift_left3A_7 = arith.shli %slice3A_4, %shift_left3A_6 : vector<8192x64xi32>
    %or3A = arith.ori %slice3A, %shift_left3A_7 : vector<8192x64xi32>
    %shift_left3A_8 = arith.constant 16 : i32
    %shift_left3A_9 = vector.broadcast %shift_left3A_8 : i32 to vector<8192x64xi32>
    %shift_left3A_10 = arith.shli %slice3A_5, %shift_left3A_9 : vector<8192x64xi32>
    %or3A_11 = arith.ori %slice3A_3, %shift_left3A_10 : vector<8192x64xi32>
    %concatenate3A = tpu.concatenate %or3A, %or3A_11 in 1 : vector<8192x64xi32>, vector<8192x64xi32> -> vector<8192x128xi32>
    %swap3A = arith.constant 0 : index
    %swap3A_12 = arith.constant 0 : index
    %swap3A_13 = vector.load %arg2[%swap3A, %swap3A_12] : memref<8192x128xi32, #tpu.memory_space<vmem>>, vector<8192x128xi32>
    tpu.vector_store %arg2[%swap3A, %swap3A_12], %concatenate3A {strides = array<i32>} : memref<8192x128xi32, #tpu.memory_space<vmem>>, vector<8192x128xi32>,
    return
  }
  func.func @transform_0(%arg0: i32) -> (i32, i32) {
    %c0_i32 = arith.constant 0 : i32
    %c0_i32_0 = arith.constant 0 : i32
    return %c0_i32, %arg0 : i32, i32
  }
  func.func @transform_1(%arg0: i32) -> (i32, i32) {
    %c0_i32 = arith.constant 0 : i32
    %c0_i32_0 = arith.constant 0 : i32
    return %arg0, %c0_i32 : i32, i32
  }
}

module attributes {stable_mosaic.version = 14 : i64} {
  func.func @_score_body(%arg0: i32, %arg1: memref<2048x128xi32, #tpu.memory_space<vmem>>, %arg2: memref<2048x128xi32, #tpu.memory_space<vmem>>, %arg3: memref<2048x128xi32, #tpu.memory_space<vmem>>, %arg4: memref<2048x128xi32, #tpu.memory_space<vmem>>, %arg5: memref<2048xf32, #tpu.memory_space<vmem>>) attributes {dimension_semantics = [#tpu.dimension_semantics<arbitrary>], iteration_bounds = array<i64: 8>, scalar_prefetch = 0 : i64, scratch_operands = 0 : i64, tpu.core_type = #tpu.core_type<tc>, window_params = [{transform_indices = @transform_0, window_bounds = array<i64: 2048, 128>}, {transform_indices = @transform_1, window_bounds = array<i64: 2048, 128>}, {transform_indices = @transform_2, window_bounds = array<i64: 2048, 128>}, {transform_indices = @transform_3, window_bounds = array<i64: 2048, 128>}, {transform_indices = @transform_4, window_bounds = array<i64: 2048>}]} {
    %get3A = arith.constant 0 : index
    %get3A_0 = arith.constant 0 : index
    %get3A_1 = vector.load %arg4[%get3A, %get3A_0] : memref<2048x128xi32, #tpu.memory_space<vmem>>, vector<2048x128xi32>
    %slice3A = vector.extract_strided_slice %get3A_1 {offsets = [0, 0], sizes = [2048, 64], strides = [1, 1]} : vector<2048x128xi32> to vector<2048x64xi32>
    %get3A_2 = arith.constant 0 : index
    %get3A_3 = arith.constant 0 : index
    %get3A_4 = vector.load %arg1[%get3A_2, %get3A_3] : memref<2048x128xi32, #tpu.memory_space<vmem>>, vector<2048x128xi32>
    %shift_right_arithmetic3A = arith.constant 0 : i32
    %shift_right_arithmetic3A_5 = vector.broadcast %shift_right_arithmetic3A : i32 to vector<2048x64xi32>
    %shift_right_arithmetic3A_6 = arith.shrsi %slice3A, %shift_right_arithmetic3A_5 : vector<2048x64xi32>
    %and3A = arith.constant 1 : i32
    %and3A_7 = vector.broadcast %and3A : i32 to vector<2048x64xi32>
    %and3A_8 = arith.andi %shift_right_arithmetic3A_6, %and3A_7 : vector<2048x64xi32>
    %eq3A = arith.constant 1 : i32
    %eq3A_9 = vector.broadcast %eq3A : i32 to vector<2048x64xi32>
    %eq3A_10 = arith.cmpi eq, %and3A_8, %eq3A_9 : vector<2048x64xi32>
    %slice3A_11 = vector.extract_strided_slice %get3A_4 {offsets = [0, 64], sizes = [2048, 64], strides = [1, 1]} : vector<2048x128xi32> to vector<2048x64xi32>
    %slice3A_12 = vector.extract_strided_slice %get3A_4 {offsets = [0, 0], sizes = [2048, 64], strides = [1, 1]} : vector<2048x128xi32> to vector<2048x64xi32>
    %select_n3A = arith.select %eq3A_10, %slice3A_11, %slice3A_12 : vector<2048x64xi1>, vector<2048x64xi32>
    %shift_right_arithmetic3A_13 = arith.constant 1 : i32
    %shift_right_arithmetic3A_14 = vector.broadcast %shift_right_arithmetic3A_13 : i32 to vector<2048x64xi32>
    %shift_right_arithmetic3A_15 = arith.shrsi %slice3A, %shift_right_arithmetic3A_14 : vector<2048x64xi32>
    %and3A_16 = arith.constant 1 : i32
    %and3A_17 = vector.broadcast %and3A_16 : i32 to vector<2048x64xi32>
    %and3A_18 = arith.andi %shift_right_arithmetic3A_15, %and3A_17 : vector<2048x64xi32>
    %eq3A_19 = arith.constant 1 : i32
    %eq3A_20 = vector.broadcast %eq3A_19 : i32 to vector<2048x64xi32>
    %eq3A_21 = arith.cmpi eq, %and3A_18, %eq3A_20 : vector<2048x64xi32>
    %and3A_22 = arith.constant -65536 : i32
    %and3A_23 = vector.broadcast %and3A_22 : i32 to vector<2048x64xi32>
    %and3A_24 = arith.andi %select_n3A, %and3A_23 : vector<2048x64xi32>
    %shift_left3A = arith.constant 16 : i32
    %shift_left3A_25 = vector.broadcast %shift_left3A : i32 to vector<2048x64xi32>
    %shift_left3A_26 = arith.shli %select_n3A, %shift_left3A_25 : vector<2048x64xi32>
    %select_n3A_27 = arith.select %eq3A_21, %and3A_24, %shift_left3A_26 : vector<2048x64xi1>, vector<2048x64xi32>
    %bitcast_convert_type3A = tpu.bitcast %select_n3A_27 : vector<2048x64xi32> -> vector<2048x64xf32>
    %get3A_28 = arith.constant 0 : index
    %get3A_29 = arith.constant 0 : index
    %get3A_30 = vector.load %arg2[%get3A_28, %get3A_29] : memref<2048x128xi32, #tpu.memory_space<vmem>>, vector<2048x128xi32>
    %shift_right_arithmetic3A_31 = arith.constant 2 : i32
    %shift_right_arithmetic3A_32 = vector.broadcast %shift_right_arithmetic3A_31 : i32 to vector<2048x64xi32>
    %shift_right_arithmetic3A_33 = arith.shrsi %slice3A, %shift_right_arithmetic3A_32 : vector<2048x64xi32>
    %and3A_34 = arith.constant 1 : i32
    %and3A_35 = vector.broadcast %and3A_34 : i32 to vector<2048x64xi32>
    %and3A_36 = arith.andi %shift_right_arithmetic3A_33, %and3A_35 : vector<2048x64xi32>
    %eq3A_37 = arith.constant 1 : i32
    %eq3A_38 = vector.broadcast %eq3A_37 : i32 to vector<2048x64xi32>
    %eq3A_39 = arith.cmpi eq, %and3A_36, %eq3A_38 : vector<2048x64xi32>
    %slice3A_40 = vector.extract_strided_slice %get3A_30 {offsets = [0, 64], sizes = [2048, 64], strides = [1, 1]} : vector<2048x128xi32> to vector<2048x64xi32>
    %slice3A_41 = vector.extract_strided_slice %get3A_30 {offsets = [0, 0], sizes = [2048, 64], strides = [1, 1]} : vector<2048x128xi32> to vector<2048x64xi32>
    %select_n3A_42 = arith.select %eq3A_39, %slice3A_40, %slice3A_41 : vector<2048x64xi1>, vector<2048x64xi32>
    %shift_right_arithmetic3A_43 = arith.constant 3 : i32
    %shift_right_arithmetic3A_44 = vector.broadcast %shift_right_arithmetic3A_43 : i32 to vector<2048x64xi32>
    %shift_right_arithmetic3A_45 = arith.shrsi %slice3A, %shift_right_arithmetic3A_44 : vector<2048x64xi32>
    %and3A_46 = arith.constant 1 : i32
    %and3A_47 = vector.broadcast %and3A_46 : i32 to vector<2048x64xi32>
    %and3A_48 = arith.andi %shift_right_arithmetic3A_45, %and3A_47 : vector<2048x64xi32>
    %eq3A_49 = arith.constant 1 : i32
    %eq3A_50 = vector.broadcast %eq3A_49 : i32 to vector<2048x64xi32>
    %eq3A_51 = arith.cmpi eq, %and3A_48, %eq3A_50 : vector<2048x64xi32>
    %and3A_52 = arith.constant -65536 : i32
    %and3A_53 = vector.broadcast %and3A_52 : i32 to vector<2048x64xi32>
    %and3A_54 = arith.andi %select_n3A_42, %and3A_53 : vector<2048x64xi32>
    %shift_left3A_55 = arith.constant 16 : i32
    %shift_left3A_56 = vector.broadcast %shift_left3A_55 : i32 to vector<2048x64xi32>
    %shift_left3A_57 = arith.shli %select_n3A_42, %shift_left3A_56 : vector<2048x64xi32>
    %select_n3A_58 = arith.select %eq3A_51, %and3A_54, %shift_left3A_57 : vector<2048x64xi1>, vector<2048x64xi32>
    %bitcast_convert_type3A_59 = tpu.bitcast %select_n3A_58 : vector<2048x64xi32> -> vector<2048x64xf32>
    %get3A_60 = arith.constant 0 : index
    %get3A_61 = arith.constant 0 : index
    %get3A_62 = vector.load %arg3[%get3A_60, %get3A_61] : memref<2048x128xi32, #tpu.memory_space<vmem>>, vector<2048x128xi32>
    %shift_right_arithmetic3A_63 = arith.constant 4 : i32
    %shift_right_arithmetic3A_64 = vector.broadcast %shift_right_arithmetic3A_63 : i32 to vector<2048x64xi32>
    %shift_right_arithmetic3A_65 = arith.shrsi %slice3A, %shift_right_arithmetic3A_64 : vector<2048x64xi32>
    %and3A_66 = arith.constant 1 : i32
    %and3A_67 = vector.broadcast %and3A_66 : i32 to vector<2048x64xi32>
    %and3A_68 = arith.andi %shift_right_arithmetic3A_65, %and3A_67 : vector<2048x64xi32>
    %eq3A_69 = arith.constant 1 : i32
    %eq3A_70 = vector.broadcast %eq3A_69 : i32 to vector<2048x64xi32>
    %eq3A_71 = arith.cmpi eq, %and3A_68, %eq3A_70 : vector<2048x64xi32>
    %slice3A_72 = vector.extract_strided_slice %get3A_62 {offsets = [0, 64], sizes = [2048, 64], strides = [1, 1]} : vector<2048x128xi32> to vector<2048x64xi32>
    %slice3A_73 = vector.extract_strided_slice %get3A_62 {offsets = [0, 0], sizes = [2048, 64], strides = [1, 1]} : vector<2048x128xi32> to vector<2048x64xi32>
    %select_n3A_74 = arith.select %eq3A_71, %slice3A_72, %slice3A_73 : vector<2048x64xi1>, vector<2048x64xi32>
    %shift_right_arithmetic3A_75 = arith.constant 5 : i32
    %shift_right_arithmetic3A_76 = vector.broadcast %shift_right_arithmetic3A_75 : i32 to vector<2048x64xi32>
    %shift_right_arithmetic3A_77 = arith.shrsi %slice3A, %shift_right_arithmetic3A_76 : vector<2048x64xi32>
    %and3A_78 = arith.constant 1 : i32
    %and3A_79 = vector.broadcast %and3A_78 : i32 to vector<2048x64xi32>
    %and3A_80 = arith.andi %shift_right_arithmetic3A_77, %and3A_79 : vector<2048x64xi32>
    %eq3A_81 = arith.constant 1 : i32
    %eq3A_82 = vector.broadcast %eq3A_81 : i32 to vector<2048x64xi32>
    %eq3A_83 = arith.cmpi eq, %and3A_80, %eq3A_82 : vector<2048x64xi32>
    %and3A_84 = arith.constant -65536 : i32
    %and3A_85 = vector.broadcast %and3A_84 : i32 to vector<2048x64xi32>
    %and3A_86 = arith.andi %select_n3A_74, %and3A_85 : vector<2048x64xi32>
    %shift_left3A_87 = arith.constant 16 : i32
    %shift_left3A_88 = vector.broadcast %shift_left3A_87 : i32 to vector<2048x64xi32>
    %shift_left3A_89 = arith.shli %select_n3A_74, %shift_left3A_88 : vector<2048x64xi32>
    %select_n3A_90 = arith.select %eq3A_83, %and3A_86, %shift_left3A_89 : vector<2048x64xi1>, vector<2048x64xi32>
    %bitcast_convert_type3A_91 = tpu.bitcast %select_n3A_90 : vector<2048x64xi32> -> vector<2048x64xf32>
    %mul3A = arith.mulf %bitcast_convert_type3A, %bitcast_convert_type3A_59 : vector<2048x64xf32>
    %mul3A_92 = arith.mulf %mul3A, %bitcast_convert_type3A_91 : vector<2048x64xf32>
    %reduce_sum3A = arith.constant dense<0.000000e+00> : vector<2048xf32>
    %reduce_sum3A_93 = vector.multi_reduction <add>, %mul3A_92, %reduce_sum3A [1] : vector<2048x64xf32> to vector<2048xf32>
    %logistic3A = arith.negf %reduce_sum3A_93 : vector<2048xf32>
    %logistic3A_94 = math.exp %logistic3A : vector<2048xf32>
    %logistic3A_95 = arith.constant 1.000000e+00 : f32
    %logistic3A_96 = vector.broadcast %logistic3A_95 : f32 to vector<2048xf32>
    %logistic3A_97 = arith.addf %logistic3A_96, %logistic3A_94 : vector<2048xf32>
    %logistic3A_98 = arith.divf %logistic3A_96, %logistic3A_97 : vector<2048xf32>
    %swap3A = arith.constant 0 : index
    %swap3A_99 = vector.load %arg5[%swap3A] : memref<2048xf32, #tpu.memory_space<vmem>>, vector<2048xf32>
    tpu.vector_store %arg5[%swap3A], %logistic3A_98 {strides = array<i32>} : memref<2048xf32, #tpu.memory_space<vmem>>, vector<2048xf32>,
    return
  }
  func.func @transform_0(%arg0: i32) -> (i32, i32) {
    %c0_i32 = arith.constant 0 : i32
    %c0_i32_0 = arith.constant 0 : i32
    return %arg0, %c0_i32 : i32, i32
  }
  func.func @transform_1(%arg0: i32) -> (i32, i32) {
    %c0_i32 = arith.constant 0 : i32
    %c0_i32_0 = arith.constant 0 : i32
    return %arg0, %c0_i32 : i32, i32
  }
  func.func @transform_2(%arg0: i32) -> (i32, i32) {
    %c0_i32 = arith.constant 0 : i32
    %c0_i32_0 = arith.constant 0 : i32
    return %arg0, %c0_i32 : i32, i32
  }
  func.func @transform_3(%arg0: i32) -> (i32, i32) {
    %c0_i32 = arith.constant 0 : i32
    %c0_i32_0 = arith.constant 0 : i32
    return %arg0, %c0_i32 : i32, i32
  }
  func.func @transform_4(%arg0: i32) -> i32 {
    %c0_i32 = arith.constant 0 : i32
    return %arg0 : i32
  }
}

</mosaic_0001>

<sc_bundles>
// kernel: kernel.6.cloned.1.call-start
scs
__scs_entry_jumppad:
0x0: {  	(pc) =	sbr.rel $0x88, $3  }
0x1: {  	(tag) =	ssettag $0x0;
	lr =	simm.s32 $0x1  }
0x2: {  	[smem:$0x3F9C] =	sst lr;
	_ =	strace $0xD0000000  }
0x3: {  	_ = 	snop  }
0x4: {  	_ = 	snop  }
0x5: {  	_ = 	snop  }
0x6: {  	_ = 	snop  }
0x7: {  	_ = 	snop  }
__scs_overlays_trampoline_lowered:
0x8: {  	[smem:$0x3FAB] =	sst s0  }
0x9: {  	[smem:$0x3FAC] =	sst s1  }
0xa: {  	[smem:$0x3FAD] =	sst s2  }
0xb: {  	[smem:$0x3FAE] =	sst s3  }
0xc: {  	[smem:$0x3FAF] =	sst s4  }
0xd: {  	[smem:$0x3FB0] =	sst s5  }
0xe: {  	[smem:$0x3FB1] =	sst s6  }
0xf: {  	[smem:$0x3FB2] =	sst s7  }
0x10: {  	[smem:$0x3FB3] =	sst s8  }
0x11: {  	[smem:$0x3FB4] =	sst s9;
	s0 =	simm.s32 @!p0 $0x0  }
0x12: {  	s1 =	sld [smem:$0x3F9A];
	s0 =	simm.s32 @p0 $0x1  }
0x13: {  	[smem:$0x3FB5] =	sst s0;
	s0 =	simm.s32 @!p1 $0x0  }
0x14: {  	s2 =	sld [smem:$0x3F99];
	s0 =	simm.s32 @p1 $0x1  }
0x15: {  	[smem:$0x3FB6] =	sst s0;
	s0 =	simm.s32 @!p2 $0x0  }
0x16: {  	s3 =	sld [smem:$0x3FDB];
	s0 =	simm.s32 @p2 $0x1  }
0x17: {  	s4 =	simm.s32 $0x1BF5;
	[smem:$0x3FB8] =	sst s0  }
0x18: {  	s0 =	sld [smem:$0x3F9B];
	_ =	swait.ge [sflag:s4], $0x0  }
0x19: {  	s7 =	sld [smem:$0x3F9C]  }
0x1a: {  	s8 =	sadd.s32 $0xFFFFE003, lr  }
0x1b: {  	s9 =	sadd.s32 $0xFFFFFEF7, lr;
	s5 =	simm.s32 $0xFFFFFFFF;
	p2 =	slt.u32 s8, $0xFFFFF086  }
0x1c: {  	p1 =	slt.u32 s9, $0xF7A;
	s5 =	simm.s32 @!p2 $0x0  }
0x1d: {  	s5 =	simm.s32 @p1 $0x1;
	p0 =	seq.s32 s7, s2  }
0x1e: {  	s7 =	smul.u32 @!p0 $0xF7A, s2;
	p2 =	seq.s32 @!p0 s5, $0x0  }
0x1f: {  	s9 =	smul.u32 $0xF7A, s1;
	s8 =	simm.s32 @!p0 $0x1BF5;
	p2 =	por !p2, p0  }
0x20: {  	[sflag:s8] =	ssyncset.s32 @!p0 $0xFFFFF086;
	s6 =	sadd.s32 @!p0 s3, s7;
	s7 =	simm.s32 @!p0 $0x108  }
0x21: {  	s3 =	sadd.s32 s3, s9;
	s6 =	sadd.s32 @!p0 $0x88, s6;
	s7 =	simm.s32 @p2 $0x1082  }
0x22: {  	[simem:s7], [sflag:s8] =	dma.local @!p0 [hbm:s6], $0xF7A  }
0x23: {  	s9 =	sor.u32 $0xD0000000, s2;
	s6 =	simm.s32 $0x108;
	_ =	swait.ge @!p0 [sflag:s8], $0x0  }
0x24: {  	s3 =	sadd.s32 $0x88, s3;
	s6 =	simm.s32 @!p1 $0x1082;
	[sflag:s4] =	ssyncset.s32 $0xFFFFF086  }
0x25: {  	[simem:s6], [sflag:s4] =	dma.local [hbm:s3], $0xF7A  }
0x26: {  	[smem:$0x3F9C] =	sst s1;
	(tag) =	ssettag s2;
	_ =	strace s9  }
0x27: {  	s1 =	sld [smem:$0x3FAC]  }
0x28: {  	s2 =	sld [smem:$0x3FAD]  }
0x29: {  	s4 =	sld [smem:$0x3FAF]  }
0x2a: {  	p0 =	seq.s32 s5, $0x0;
	s5 =	sld [smem:$0x3FB0]  }
0x2b: {  	s6 =	sld [smem:$0x3FB1]  }
0x2c: {  	s7 =	sld [smem:$0x3FB2]  }
0x2d: {  	s3 =	simm.s32 $0x108;
	s8 =	sld [smem:$0x3FB3]  }
0x2e: {  	s3 =	simm.s32 @!p0 $0x1082;
	s9 =	sld [smem:$0x3FB4]  }
0x2f: {  	lr =	sadd.s32 s0, s3;
	s0 =	sld [smem:$0x3FAB]  }
0x30: {  	s3 =	sld [smem:$0x3FAE]  }
0x31: {  	[smem:$0x3FB7] =	sst s10  }
0x32: {  	s10 =	sld [smem:$0x3FB5];
	_ =	sdelay $0x3  }
0x33: {  	p0 =	seq.s32 s10, $0x1;
	s10 =	sld [smem:$0x3FB7];
	_ =	sdelay $0x3  }
0x34: {  	[smem:$0x3FB7] =	sst s10  }
0x35: {  	s10 =	sld [smem:$0x3FB6];
	_ =	sdelay $0x3  }
0x36: {  	p1 =	seq.s32 s10, $0x1;
	s10 =	sld [smem:$0x3FB7];
	_ =	sdelay $0x3  }
0x37: {  	[smem:$0x3FB7] =	sst s10  }
0x38: {  	s10 =	sld [smem:$0x3FB8]  }
0x39: {  	_ = 	snop;
	(pc) =	sbr.ind lr, $3  }
0x3a: {  	_ = 	snop  }
0x3b: {  	_ = 	snop  }
0x3c: {  	p2 =	seq.s32 s10, $0x1;
	s10 =	sld [smem:$0x3FB7]  }
0x3d: {  	_ =	shalt  }
0x3e: {  	_ =	shalt  }
0x3f: {  	_ =	shalt  }
0x40: {  	_ =	shalt  }
0x41: {  	_ =	shalt  }
0x42: {  	_ =	shalt  }
0x43: {  	_ =	shalt  }
0x44: {  	_ =	shalt  }
0x45: {  	_ =	shalt  }
0x46: {  	_ =	shalt  }
0x47: {  	_ =	shalt  }
0x48: {  	_ =	shalt  }
0x49: {  	_ =	shalt  }
0x4a: {  	_ =	shalt  }
0x4b: {  	_ =	shalt  }
0x4c: {  	_ =	shalt  }
0x4d: {  	_ =	shalt  }
0x4e: {  	_ =	shalt  }
0x4f: {  	_ =	shalt  }
0x50: {  	_ =	shalt  }
0x51: {  	_ =	shalt  }
0x52: {  	_ =	shalt  }
0x53: {  	_ =	shalt  }
0x54: {  	_ =	shalt  }
0x55: {  	_ =	shalt  }
0x56: {  	_ =	shalt  }
0x57: {  	_ =	shalt  }
0x58: {  	_ =	shalt  }
0x59: {  	_ =	shalt  }
0x5a: {  	_ =	shalt  }
0x5b: {  	_ =	shalt  }
0x5c: {  	_ =	shalt  }
0x5d: {  	_ =	shalt  }
0x5e: {  	_ =	shalt  }
0x5f: {  	_ =	shalt  }
0x60: {  	_ =	shalt  }
0x61: {  	_ =	shalt  }
0x62: {  	_ =	shalt  }
0x63: {  	_ =	shalt  }
0x64: {  	_ =	shalt  }
0x65: {  	_ =	shalt  }
0x66: {  	_ =	shalt  }
0x67: {  	_ =	shalt  }
0x68: {  	_ =	shalt  }
0x69: {  	_ =	shalt  }
0x6a: {  	_ =	shalt  }
0x6b: {  	_ =	shalt  }
0x6c: {  	_ =	shalt  }
0x6d: {  	_ =	shalt  }
0x6e: {  	_ =	shalt  }
0x6f: {  	_ =	shalt  }
0x70: {  	_ =	shalt  }
0x71: {  	_ =	shalt  }
0x72: {  	_ =	shalt  }
0x73: {  	_ =	shalt  }
0x74: {  	_ =	shalt  }
0x75: {  	_ =	shalt  }
0x76: {  	_ =	shalt  }
0x77: {  	_ =	shalt  }
0x78: {  	_ =	shalt  }
0x79: {  	_ =	shalt  }
0x7a: {  	_ =	shalt  }
0x7b: {  	_ =	shalt  }
0x7c: {  	_ =	shalt  }
0x7d: {  	_ =	shalt  }
0x7e: {  	_ =	shalt  }
0x7f: {  	_ =	shalt  }
0x80: {  	_ =	shalt  }
0x81: {  	_ =	shalt  }
0x82: {  	_ =	shalt  }
0x83: {  	_ =	shalt  }
0x84: {  	_ =	shalt  }
0x85: {  	_ =	shalt  }
0x86: {  	_ =	shalt  }
0x87: {  	_ =	shalt  }
.Lfunc_end0:
.L_simem_size_0:
called_computation_lowered:
.L_overlay_start_0:
0x88: {  	s2 =	sld [smem:$0x3FD9]  }
0x89: {  	s3 =	sld [smem:$0x3FFE];
	_ =	sdelay $0x1  }
0x8a: {  	s1 =	srdreg.scid  }
0x8b: {  	s0 =	sand.u32 $0x1, s1  }
0x8c: {  	s17 =	sshll.u32 s0, $0xA;
	s2 =	sadd.s32 s3, s2  }
0x8d: {  	s2 =	sadd.s32 s2, s17  }
0x8e: {  	[smem:$0x3FC3] =	sst s2  }
0x8f: {  	_ = 	snop  }
0x90: {  	s2 =	sld [smem:$0x3FD0];
	(tm) =	ssettm $0x1  }
0x91: {  	s18 =	sld [smem:$0x3FFB];
	_ =	sdelay $0x3  }
0x92: {  	_ =	strace s18  }
0x93: {  	s3 =	sld [smem:$0x3FFC];
	_ =	sdelay $0x3  }
0x94: {  	_ =	strace s3  }
0x95: {  	s3 =	sld [smem:$0x3FFD];
	_ =	sdelay $0x3  }
0x96: {  	_ =	strace s3  }
0x97: {  	_ =	strace $0x8FFFFFFF  }
0x98: {  	s19 =	sld [smem:$0x3FDB];
	_ =	sdelay $0x1  }
0x99: {  	s4 =	simm.s32 $_scs_section_size  }
0x9a: {  	s5 =	simm.s32 $_size__tile_overlayer_lowered;
	s6 =	simm.s32 $_tile_overlayer_lowered  }
0x9b: {  	s22 =	simm.s32 $0x1BFF;
	s21 =	sshll.u32 s6, $0x1;
	s3 =	sadd.s32 s4, s19  }
0x9c: {  	s7 =	simm.s32 $0x0;
	s20 =	sshll.u32 s5, $0x1;
	s5 =	sadd.s32 s21, s3  }
0x9d: {  	[timem:s7], [sflag:s22] =	dma.local [hbm:s5], s20  }
0x9e: {  	_ =	swait.ge [sflag:s22], s20  }
0x9f: {  	s4 =	ssub.s32 $0x0, s20;
	[sflag:s22] =	ssyncset.done $0x0  }
0xa0: {  	[sflag:s22] =	ssyncadd.s32 s4;
	_ =	sdelay $0x1  }
0xa1: {  	s23 =	simm.s32 $0x1B8B  }
0xa2: {  	_ =	swait.ge [sflag:s23], $0x1  }
0xa3: {  	[sflag:s23] =	ssyncset.done $0x0  }
0xa4: {  	s25 =	simm.s32 $0x1B8E;
	s24 =	sld [smem:$0x3FFE];
	[sflag:s23] =	ssyncadd.s32 $0xFFFFFFFF  }
0xa5: {  	s26 =	simm.s32 $execute0_lowered;
	[smem:$0x3FD2] =	sst s25  }
0xa6: {  	s5 =	sshll.u32 s26, $0x1;
	_ =	strace $0x80000046;
	[dreg:$0x1] =	wrdreg $0xFFFFFFFF  }
0xa7: {  	s28 =	simm.s32 $_size_execute0_lowered;
	s3 =	sadd.s32 s3, s5;
	[dreg:$0x0] =	wrdreg $0x0  }
0xa8: {  	s5 =	sshll.u32 s28, $0x1;
	[dreg:$0x2] =	wrdreg s3  }
0xa9: {  	[dreg:$0x3] =	wrdreg s5  }
0xaa: {  	[dreg:$0x4] =	wrdreg $0xC0  }
0xab: {  	_ =	task [dreg:s7], $0x5FFFF  }
0xac: {  	[dreg:$0x1] =	wrdreg $0xFFFFFFFF  }
0xad: {  	[dreg:$0x0] =	wrdreg $0x60  }
0xae: {  	[dreg:$0x2] =	wrdreg s24  }
0xaf: {  	[dreg:$0x3] =	wrdreg s2  }
0xb0: {  	[dreg:$0x4] =	wrdreg $0x9  }
0xb1: {  	_ =	task.clear_ibuf [dreg:s7], $0x5FFFF;
	_ =	strace $0x90000046  }
0xb2: {  	s29 =	simm.s32 $0x9;
	_ =	strace $0x80000048  }
0xb3: {  	_ =	swait.ge [sflag:s29], $0x1  }
0xb4: {  	[sflag:s29] =	ssyncadd.s32 $0xFFFFFFFF  }
0xb5: {  	_ =	strace $0x90000048  }
0xb6: {  	_ =	sfence  }
0xb7: {  	s30 =	sld [smem:$0x0];
	_ =	sdelay $0x2  }
0xb8: {  	s31 =	sshll.u32 s1, $0xD;
	s1 =	sshrl.u32 s1, $0x2  }
0xb9: {  	s3 =	sand.u32 $0x4000, s31;
	s1 =	sadd.s32 s1, s30  }
0xba: {  	s0 =	sor.u32 s3, s0;
	s1 =	sshll.u32 s1, $0x11  }
0xbb: {  	s0 =	sor.u32 s1, s0  }
0xbc: {  	s0 =	sadd.s32 $0x8F2B, s0  }
0xbd: {  	[sflag:s0] =	ssyncadd.remote.s32 $0x1  }
0xbe: {  	_ =	sfence.sel $0xFFFF  }
0xbf: {  	[dreg:$0x0] =	wrdreg $0xFFFFFFFF;
	(pc) =	sbr.abs _section_cstart, $3  }
0xc0: {  	[dreg:$0x1] =	wrdreg $0xFFFFFFFF  }
0xc1: {  	_ =	task.clear_ibuf [dreg:s7], $0x2FFFF;
	_ =	strace $0x9FFFFFFF  }
0xc2: {  	(tm) =	ssettm $0x7FFFFFFF  }
0xc3: {  	_ =	shalt  }
tec
execute0_lowered:
.L_overlay_start_1:
0x0: {  	(tag) =	ssettag $0x1  }
0x1: {  	s1 =	srdreg.scid  }
0x2: {  	s10 =	rddreg [dreg:$0x0];
	s0 =	stileid.u32;
	s13 =	sand.u32 $0x1, s1  }
0x3: {  	s3 =	rddreg [dreg:$0x1];
	s4 =	sshll.u32 s0, $0xA;
	s5 =	sshll.u32 s13, $0x9  }
0x4: {  	s2 =	simm.s32 $0x0;
	s1 =	rddreg [dreg:$0x2];
	s8 =	sor.u32 s5, s4  }
0x5: {  	[smem:$0x7FF] =	sst s2;
	s9 =	sshrl.u32 s8, $0x3  }
0x6: {  	_ =	strace $0x80000047;
	s4 =	sadd.s32 s3, s9;
	s3 =	simm.s32 $0x2  }
0x7: {  	[tilespmem:s2], [sflag:$0x2] =	stream.linear.gather [hbm4b:s4+s2], $0x200, $0x38;
	[tilespmem:$0x10200] =	vst v63  }
0x8: {  	_ =	swait.ge [sflag:s3], $0x200  }
0x9: {  	s6 =	simm.s32 $0x200;
	[sflag:s3] =	ssyncset.done $0x0  }
0xa: {  	s7 =	simm.s32 $0x1;
	s5 =	sadd.s32 $0x1800, s10;
	[sflag:s3] =	ssyncadd.s32 $0xFFFFFE00  }
0xb: {  	[tilespmem:s6], [sflag:$0x1] =	stream.indirect.gather [hbm4b:s5+s6], $0x80, s2, s6, $0xb8;
	[tilespmem:$0x10200] =	vst v63  }
0xc: {  	s8 =	sshll.u32 s8, $0x4;
	_ =	swait.ge [sflag:s7], $0x10000  }
0xd: {  	s14 =	sadd.s32 s8, s10;
	[sflag:s7] =	ssyncset.done $0x0  }
0xe: {  	s8 =	sadd.s32 $0x402800, s14;
	[sflag:s7] =	ssyncadd.s32 $0xFFFF0000  }
0xf: {  	[hbm4b:s8+s2] =	stream.linear.scatter [tilespmem:s6], [sflag:$0x2], $0x10000, $0x38;
	[tilespmem:$0x10200] =	vst v63  }
0x10: {  	_ =	swait.ge [sflag:s3], $0x10000  }
0x11: {  	s12 =	sadd.s32 s9, s10;
	[sflag:s3] =	ssyncset.done $0x0  }
0x12: {  	s9 =	sadd.s32 $0x401800, s12;
	[sflag:s3] =	ssyncadd.s32 $0xFFFF0000  }
0x13: {  	[tilespmem:s2], [sflag:$0x2] =	stream.linear.gather [hbm4b:s9+s2], $0x200, $0x38;
	[tilespmem:$0x10200] =	vst v63  }
0x14: {  	_ =	swait.ge [sflag:s3], $0x200  }
0x15: {  	[sflag:s3] =	ssyncset.done $0x0  }
0x16: {  	s10 =	sadd.s32 $0x3E1800, s10;
	[sflag:s3] =	ssyncadd.s32 $0xFFFFFE00  }
0x17: {  	[tilespmem:s6], [sflag:$0x1] =	stream.indirect.gather [hbm4b:s10+s6], $0x80, s2, s6, $0xb8;
	[tilespmem:$0x10200] =	vst v63  }
0x18: {  	_ =	swait.ge [sflag:s7], $0x10000  }
0x19: {  	[sflag:s7] =	ssyncset.done $0x0  }
0x1a: {  	s11 =	sadd.s32 $0x442800, s14;
	[sflag:s7] =	ssyncadd.s32 $0xFFFF0000  }
0x1b: {  	[hbm4b:s11+s2] =	stream.linear.scatter [tilespmem:s6], [sflag:$0x2], $0x10000, $0x38;
	[tilespmem:$0x10200] =	vst v63  }
0x1c: {  	_ =	swait.ge [sflag:s3], $0x10000  }
0x1d: {  	[sflag:s3] =	ssyncset.done $0x0  }
0x1e: {  	s13 =	ssub.s32 $0x2, s13;
	s12 =	sadd.s32 $0x402000, s12;
	[sflag:s3] =	ssyncadd.s32 $0xFFFF0000  }
0x1f: {  	[tilespmem:s2], [sflag:$0x2] =	stream.linear.gather [hbm4b:s12+s2], $0x200, $0x38;
	[tilespmem:$0x10200] =	vst v63  }
0x20: {  	s15 =	sshrl.u32 s13, $0x1;
	_ =	swait.ge [sflag:s3], $0x200  }
0x21: {  	s15 =	ssub.s32 s13, s15;
	[sflag:s3] =	ssyncset.done $0x0  }
0x22: {  	s31 =	smax.u32 s15, $0x1;
	[sflag:s3] =	ssyncadd.s32 $0xFFFFFE00  }
0x23: {  	[tilespmem:s6], [sflag:$0x1] =	stream.indirect.gather [hbm4b:s5+s6], $0x80, s2, s6, $0xb8;
	[tilespmem:$0x10200] =	vst v63  }
0x24: {  	p0 =	sne.s32 s31, $0x1;
	_ =	swait.ge [sflag:s7], $0x10000  }
.Ltmp0:
0x25: {  	[sflag:s7] =	ssyncset.done $0x0;
	(pc) =	sbr.rel @!p0 .LBB2_2-.Ltmp0, $4  }
0x26: {  	s13 =	sadd.s32 $0x482800, s14;
	[sflag:s7] =	ssyncadd.s32 $0xFFFF0000  }
0x27: {  	[hbm4b:s13+s2] =	stream.linear.scatter [tilespmem:s6], [sflag:$0x2], $0x10000, $0x38;
	[tilespmem:$0x10200] =	vst v63  }
0x28: {  	_ =	swait.ge [sflag:s3], $0x10000  }
0x29: {  	s14 =	sadd.s32 $0xFFFFFFFF, s31;
	[sflag:s3] =	ssyncset.done $0x0  }
.LBB2_1:
0x2a: {  	p0 =	sne.s32 s14, $0x1;
	s14 =	sadd.s32 $0xFFFFFFFF, s14;
	[sflag:s3] =	ssyncadd.s32 $0xFFFF0000  }
0x2b: {  	[tilespmem:s2], [sflag:$0x2] =	stream.linear.gather [hbm4b:s4+s2], $0x200, $0x38;
	[tilespmem:$0x10200] =	vst v63  }
0x2c: {  	_ =	swait.ge [sflag:s3], $0x200  }
0x2d: {  	[sflag:s3] =	ssyncset.done $0x0  }
0x2e: {  	[sflag:s3] =	ssyncadd.s32 $0xFFFFFE00  }
0x2f: {  	[tilespmem:s6], [sflag:$0x1] =	stream.indirect.gather [hbm4b:s5+s6], $0x80, s2, s6, $0xb8;
	[tilespmem:$0x10200] =	vst v63  }
0x30: {  	_ =	swait.ge [sflag:s7], $0x10000  }
0x31: {  	[sflag:s7] =	ssyncset.done $0x0  }
0x32: {  	[sflag:s7] =	ssyncadd.s32 $0xFFFF0000  }
0x33: {  	[hbm4b:s8+s2] =	stream.linear.scatter [tilespmem:s6], [sflag:$0x2], $0x10000, $0x38;
	[tilespmem:$0x10200] =	vst v63  }
0x34: {  	_ =	swait.ge [sflag:s3], $0x10000  }
0x35: {  	[sflag:s3] =	ssyncset.done $0x0  }
0x36: {  	[sflag:s3] =	ssyncadd.s32 $0xFFFF0000  }
0x37: {  	[tilespmem:s2], [sflag:$0x2] =	stream.linear.gather [hbm4b:s9+s2], $0x200, $0x38;
	[tilespmem:$0x10200] =	vst v63  }
0x38: {  	_ =	swait.ge [sflag:s3], $0x200  }
0x39: {  	[sflag:s3] =	ssyncset.done $0x0  }
0x3a: {  	[sflag:s3] =	ssyncadd.s32 $0xFFFFFE00  }
0x3b: {  	[tilespmem:s6], [sflag:$0x1] =	stream.indirect.gather [hbm4b:s10+s6], $0x80, s2, s6, $0xb8;
	[tilespmem:$0x10200] =	vst v63  }
0x3c: {  	_ =	swait.ge [sflag:s7], $0x10000  }
0x3d: {  	[sflag:s7] =	ssyncset.done $0x0  }
0x3e: {  	[sflag:s7] =	ssyncadd.s32 $0xFFFF0000  }
0x3f: {  	[hbm4b:s11+s2] =	stream.linear.scatter [tilespmem:s6], [sflag:$0x2], $0x10000, $0x38;
	[tilespmem:$0x10200] =	vst v63  }
0x40: {  	_ =	swait.ge [sflag:s3], $0x10000  }
0x41: {  	[sflag:s3] =	ssyncset.done $0x0  }
0x42: {  	[sflag:s3] =	ssyncadd.s32 $0xFFFF0000  }
0x43: {  	[tilespmem:s2], [sflag:$0x2] =	stream.linear.gather [hbm4b:s12+s2], $0x200, $0x38;
	[tilespmem:$0x10200] =	vst v63  }
0x44: {  	_ =	swait.ge [sflag:s3], $0x200  }
0x45: {  	[sflag:s3] =	ssyncset.done $0x0  }
0x46: {  	[sflag:s3] =	ssyncadd.s32 $0xFFFFFE00  }
0x47: {  	[tilespmem:s6], [sflag:$0x1] =	stream.indirect.gather [hbm4b:s5+s6], $0x80, s2, s6, $0xb8;
	[tilespmem:$0x10200] =	vst v63  }
0x48: {  	_ =	swait.ge [sflag:s7], $0x10000  }
.Ltmp1:
0x49: {  	[sflag:s7] =	ssyncset.done $0x0;
	(pc) =	sbr.rel @p0 .LBB2_1-.Ltmp1, $4  }
0x4a: {  	[sflag:s7] =	ssyncadd.s32 $0xFFFF0000  }
0x4b: {  	[hbm4b:s13+s2] =	stream.linear.scatter [tilespmem:s6], [sflag:$0x2], $0x10000, $0x38;
	[tilespmem:$0x10200] =	vst v63  }
0x4c: {  	_ =	swait.ge [sflag:s3], $0x10000  }
0x4d: {  	[sflag:s3] =	ssyncset.done $0x0  }
.LBB2_2:
0x4e: {  	[sflag:s3] =	ssyncadd.s32 $0xFFFF0000  }
0x4f: {  	_ =	sfence.sel $0x180000  }
0x50: {  	[bflag:$0x0] =	sbarrier.arrive $0xFFFF  }
0x51: {  	p0 =	sne.s32 s0, $0x0;
	_ =	strace $0x90000047  }
0x52: {  	s0 =	sadd.s32 @!p0 $0x100000, s1;
	[bflag:$0x2] =	sbarrier.arrive $0xFFFF  }
0x53: {  	[sflag:s0] =	ssyncadd.tile.s32 @!p0 $0x1;
	_ =	shalt  }
.Lfunc_end2:
_tile_overlayer_lowered:
.L_overlay_start_2:
0x54: {  	(tag) =	ssettag $0x2  }
0x55: {  	s0 =	rddreg [dreg:$0x0];
	s2 =	stileid.u32  }
0x56: {  	s1 =	rddreg [dreg:$0x1];
	p0 =	sne.s32 s2, $0x0  }
0x57: {  	s3 =	rddreg [dreg:$0x2];
	[bflag:$0x3] =	sbarrier.arrive $0xFFFF;
	s2 =	simm.s32 @!p0 $0x1C02  }
0x58: {  	[timem:s3], [sflag:s2] =	dma.local @!p0 [hbm:s0], s1  }
0x59: {  	s0 =	simm.s32 @!p0 $0x2  }
0x5a: {  	_ =	swait.ge @!p0 [sflag:s0], s1  }
0x5b: {  	s1 =	ssub.s32 @!p0 $0x0, s1;
	[sflag:s0] =	ssyncset.done @!p0 $0x0  }
0x5c: {  	[sflag:s0] =	ssyncadd.s32 @!p0 s1  }
0x5d: {  	[bflag:$0x3] =	sbarrier.arrive $0xFFFF  }
0x5e: {  	_ =	shalt  }

</sc_bundles>
